<compile_context>
chip_gen: v7x
topology: tpu7x:2x2x1
jax: 0.10.2.dev20260603
libtpu: 0.0.44.dev20260713+nightly
codegen_flags: <defaults>
</compile_context>

<pallas_src>
import functools

import jax
import jax.numpy as jnp
from jax import lax
from jax.experimental import pallas as pl
from jax.experimental.pallas import tpu as pltpu
from jax.experimental.pallas import tpu_sc as plsc

_N_CAND = 8
_ROWS = 2 * 2048
_D = 1024
_NW = 32
_RPW = _ROWS // _NW
_CH = 32
_NCH = _RPW // _CH
_NBUF = 3

_sc_mesh = plsc.VectorSubcoreMesh(core_axis_name="c", subcore_axis_name="s")


@functools.partial(
    pl.kernel,
    out_type=jax.ShapeDtypeStruct((_ROWS, _D), jnp.float32),
    mesh=_sc_mesh,
    scratch_types=[
        pltpu.VMEM((16,), jnp.int32),
        [pltpu.VMEM((_CH, _D), jnp.float32) for _ in range(_NBUF)],
        [pltpu.SemaphoreType.DMA for _ in range(_NBUF)],
        [pltpu.SemaphoreType.DMA for _ in range(_NBUF)],
    ],
)
def _sc_copy(table_hbm, s_hbm, out_hbm, s_vmem, bufs, gsems, ssems):
    wid = lax.axis_index("s") * 2 + lax.axis_index("c")
    base = wid * _RPW
    pltpu.sync_copy(s_hbm, s_vmem)
    src0 = s_vmem[...][0] * _ROWS + base

    def g(ch):
        return pltpu.make_async_copy(
            table_hbm.at[pl.ds(src0 + ch * _CH, _CH), :],
            bufs[ch % _NBUF],
            gsems[ch % _NBUF],
        )

    def s(ch):
        return pltpu.make_async_copy(
            bufs[ch % _NBUF],
            out_hbm.at[pl.ds(base + ch * _CH, _CH), :],
            ssems[ch % _NBUF],
        )

    for ch in range(min(_NBUF, _NCH)):
        g(ch).start()
    for ch in range(_NCH):
        g(ch).wait()
        s(ch).start()
        nxt = ch + _NBUF
        if nxt < _NCH:
            s(ch).wait()
            g(nxt).start()
    for ch in range(max(0, _NCH - _NBUF), _NCH):
        s(ch).wait()


def kernel(inputs, binary_gates, alpha, sampled):
    del binary_gates, alpha
    s = jnp.full((16,), sampled, dtype=jnp.int32)
    table = inputs.reshape(_N_CAND * _ROWS, _D)
    out = _sc_copy(table, s)
    return out.reshape(2, 2048, _D)

# --- scband reference (transcript-rebuilt; emitter-appended) ---
"""Pipeline reference for scband-proxyless-input-choice-13864154432010 (READ-ONLY COPY).

The authoritative reference and input builder live on the scoring server;
editing this copy changes nothing except your own understanding.
"""

import jax, jax.numpy as jnp
import numpy as np


def setup_inputs(seed: int = 0) -> dict:
    key = jax.random.key(seed)
    k1, k2, k3 = jax.random.split(key, 3)
    # stacked candidate inputs: [n_candidates, batch, seq, d_model]
    inputs = jax.random.normal(k1, (8, 2, 2048, 1024), dtype=jnp.float32)
    # learned architecture parameters (sized per n_candidates=8)
    binary_gates = jax.random.normal(k2, (8,), dtype=jnp.float32) * 0.001
    alpha = jax.random.normal(k3, (8,), dtype=jnp.float32) * 0.001
    sampled = 3  # active candidate chosen by resample() via multinomial over softmax(alpha)
    return {"inputs": inputs, "binary_gates": binary_gates, "alpha": alpha, "sampled": sampled}


def reference(inputs, binary_gates, alpha, sampled):
    # Training-mode forward of ProxylessInputChoice:
    # inputs are stacked along axis 0 and the active (sampled) candidate is selected.
    # binary_gates only participate in the custom backward pass, not the forward value.
    out = inputs[sampled]
    return out

if __name__ == "__main__":
    import jax
    _d = setup_inputs()
    print(jax.jit(kernel)(*tuple(_d.values())))

</pallas_src>

<mosaic_0001>
#map = affine_map<(d0, d1) -> (0, 0)>
#map1 = affine_map<(d0, d1) -> (0)>
module attributes {stable_mosaic.version = 14 : i64} {
  func.func @_sc_copy(%arg0: i32, %arg1: i32, %arg2: memref<32768x1024xf32, #tpu.memory_space<hbm>>, %arg3: memref<16xi32, #tpu.memory_space<hbm>>, %arg4: memref<4096x1024xf32, #tpu.memory_space<hbm>>, %arg5: memref<16xi32, #tpu.memory_space<vmem>>, %arg6: memref<32x1024xf32, #tpu.memory_space<vmem>>, %arg7: memref<32x1024xf32, #tpu.memory_space<vmem>>, %arg8: memref<32x1024xf32, #tpu.memory_space<vmem>>, %arg9: memref<!tpu.dma_semaphore, #tpu.memory_space<semaphore_mem>>, %arg10: memref<!tpu.dma_semaphore, #tpu.memory_space<semaphore_mem>>, %arg11: memref<!tpu.dma_semaphore, #tpu.memory_space<semaphore_mem>>, %arg12: memref<!tpu.dma_semaphore, #tpu.memory_space<semaphore_mem>>, %arg13: memref<!tpu.dma_semaphore, #tpu.memory_space<semaphore_mem>>, %arg14: memref<!tpu.dma_semaphore, #tpu.memory_space<semaphore_mem>>) attributes {dimension_semantics = [#tpu.dimension_semantics<core_parallel>, #tpu.dimension_semantics<subcore_parallel>], iteration_bounds = array<i64: 2, 16>, scalar_prefetch = 0 : i64, scratch_operands = 10 : i64, tpu.core_type = #tpu.core_type<sc_vector_subcore>, window_params = [{transform_indices = #map}, {transform_indices = #map1}, {transform_indices = #map}]} {
    %mul3A = arith.constant 2 : i32
    %mul3A_0 = arith.muli %arg1, %mul3A : i32
    %add3A = arith.addi %mul3A_0, %arg0 : i32
    %mul3A_1 = arith.constant 128 : i32
    %mul3A_2 = arith.muli %add3A, %mul3A_1 : i32
    "tpu.region"() ({
      %run_scoped3A = tpu.sem_alloc : memref<!tpu.dma_semaphore, #tpu.memory_space<semaphore_mem>>
      tpu.enqueue_dma source(%arg3 : memref<16xi32, #tpu.memory_space<hbm>>) target(%arg5 : memref<16xi32, #tpu.memory_space<vmem>>) target_semaphore(%run_scoped3A : memref<!tpu.dma_semaphore, #tpu.memory_space<semaphore_mem>>)
      tpu.wait_dma2 semaphore(%run_scoped3A : memref<!tpu.dma_semaphore, #tpu.memory_space<semaphore_mem>>) src(%arg3 : memref<16xi32, #tpu.memory_space<hbm>>) dst(%arg5 : memref<16xi32, #tpu.memory_space<vmem>>)
      tpu.yield
    }) : () -> ()
    %get3A = arith.constant 0 : index
    %get3A_3 = tpu.vector_load %arg5[%get3A] {strides = array<i32>} : memref<16xi32, #tpu.memory_space<vmem>>, vector<16xi32>,
    %get3A_4 = vector.shape_cast %get3A_3 : vector<16xi32> to vector<16xi32>
    %slice3A = vector.extract_strided_slice %get3A_4 {offsets = [0], sizes = [1], strides = [1]} : vector<16xi32> to vector<1xi32>
    %squeeze3A = vector.extract %slice3A[0] : i32 from vector<1xi32>
    %mul3A_5 = arith.constant 4096 : i32
    %mul3A_6 = arith.muli %squeeze3A, %mul3A_5 : i32
    %add3A_7 = arith.addi %mul3A_6, %mul3A_2 : i32
    %add3A_8 = arith.constant 0 : i32
    %add3A_9 = arith.addi %add3A_7, %add3A_8 : i32
    %dma_start3A = arith.constant 0 : i32
    %dma_start3A_10 = tpu.memref_slice %arg2[%add3A_9, %dma_start3A] : memref<32768x1024xf32, #tpu.memory_space<hbm>> -> memref<32x1024xf32, #tpu.memory_space<hbm>>
    %dma_start3A_11 = arith.constant 0 : i32
    %dma_start3A_12 = tpu.memref_slice %arg2[%add3A_9, %dma_start3A_11] : memref<32768x1024xf32, #tpu.memory_space<hbm>> -> memref<32x1024xf32, #tpu.memory_space<hbm>>
    tpu.enqueue_dma source(%dma_start3A_12 : memref<32x1024xf32, #tpu.memory_space<hbm>>) target(%arg6 : memref<32x1024xf32, #tpu.memory_space<vmem>>) target_semaphore(%arg9 : memref<!tpu.dma_semaphore, #tpu.memory_space<semaphore_mem>>)
    %add3A_13 = arith.constant 32 : i32
    %add3A_14 = arith.addi %add3A_7, %add3A_13 : i32
    %dma_start3A_15 = arith.constant 0 : i32
    %dma_start3A_16 = tpu.memref_slice %arg2[%add3A_14, %dma_start3A_15] : memref<32768x1024xf32, #tpu.memory_space<hbm>> -> memref<32x1024xf32, #tpu.memory_space<hbm>>
    %dma_start3A_17 = arith.constant 0 : i32
    %dma_start3A_18 = tpu.memref_slice %arg2[%add3A_14, %dma_start3A_17] : memref<32768x1024xf32, #tpu.memory_space<hbm>> -> memref<32x1024xf32, #tpu.memory_space<hbm>>
    tpu.enqueue_dma source(%dma_start3A_18 : memref<32x1024xf32, #tpu.memory_space<hbm>>) target(%arg7 : memref<32x1024xf32, #tpu.memory_space<vmem>>) target_semaphore(%arg10 : memref<!tpu.dma_semaphore, #tpu.memory_space<semaphore_mem>>)
    %add3A_19 = arith.constant 64 : i32
    %add3A_20 = arith.addi %add3A_7, %add3A_19 : i32
    %dma_start3A_21 = arith.constant 0 : i32
    %dma_start3A_22 = tpu.memref_slice %arg2[%add3A_20, %dma_start3A_21] : memref<32768x1024xf32, #tpu.memory_space<hbm>> -> memref<32x1024xf32, #tpu.memory_space<hbm>>
    %dma_start3A_23 = arith.constant 0 : i32
    %dma_start3A_24 = tpu.memref_slice %arg2[%add3A_20, %dma_start3A_23] : memref<32768x1024xf32, #tpu.memory_space<hbm>> -> memref<32x1024xf32, #tpu.memory_space<hbm>>
    tpu.enqueue_dma source(%dma_start3A_24 : memref<32x1024xf32, #tpu.memory_space<hbm>>) target(%arg8 : memref<32x1024xf32, #tpu.memory_space<vmem>>) target_semaphore(%arg11 : memref<!tpu.dma_semaphore, #tpu.memory_space<semaphore_mem>>)
    %add3A_25 = arith.constant 0 : i32
    %add3A_26 = arith.addi %add3A_7, %add3A_25 : i32
    %dma_wait3A = arith.constant 0 : i32
    %dma_wait3A_27 = tpu.memref_slice %arg2[%add3A_26, %dma_wait3A] : memref<32768x1024xf32, #tpu.memory_space<hbm>> -> memref<32x1024xf32, #tpu.memory_space<hbm>>
    %dma_wait3A_28 = arith.constant 0 : i32
    %dma_wait3A_29 = tpu.memref_slice %arg2[%add3A_26, %dma_wait3A_28] : memref<32768x1024xf32, #tpu.memory_space<hbm>> -> memref<32x1024xf32, #tpu.memory_space<hbm>>
    tpu.wait_dma2 semaphore(%arg9 : memref<!tpu.dma_semaphore, #tpu.memory_space<semaphore_mem>>) src(%dma_wait3A_29 : memref<32x1024xf32, #tpu.memory_space<hbm>>) dst(%arg6 : memref<32x1024xf32, #tpu.memory_space<vmem>>)
    %add3A_30 = arith.constant 0 : i32
    %add3A_31 = arith.addi %mul3A_2, %add3A_30 : i32
    %dma_start3A_32 = arith.constant 0 : i32
    %dma_start3A_33 = tpu.memref_slice %arg4[%add3A_31, %dma_start3A_32] : memref<4096x1024xf32, #tpu.memory_space<hbm>> -> memref<32x1024xf32, #tpu.memory_space<hbm>>
    %dma_start3A_34 = arith.constant 0 : i32
    %dma_start3A_35 = tpu.memref_slice %arg4[%add3A_31, %dma_start3A_34] : memref<4096x1024xf32, #tpu.memory_space<hbm>> -> memref<32x1024xf32, #tpu.memory_space<hbm>>
    tpu.enqueue_dma source(%arg6 : memref<32x1024xf32, #tpu.memory_space<vmem>>) target(%dma_start3A_35 : memref<32x1024xf32, #tpu.memory_space<hbm>>) target_semaphore(%arg12 : memref<!tpu.dma_semaphore, #tpu.memory_space<semaphore_mem>>)
    %add3A_36 = arith.constant 0 : i32
    %add3A_37 = arith.addi %mul3A_2, %add3A_36 : i32
    %dma_wait3A_38 = arith.constant 0 : i32
    %dma_wait3A_39 = tpu.memref_slice %arg4[%add3A_37, %dma_wait3A_38] : memref<4096x1024xf32, #tpu.memory_space<hbm>> -> memref<32x1024xf32, #tpu.memory_space<hbm>>
    %dma_wait3A_40 = arith.constant 0 : i32
    %dma_wait3A_41 = tpu.memref_slice %arg4[%add3A_37, %dma_wait3A_40] : memref<4096x1024xf32, #tpu.memory_space<hbm>> -> memref<32x1024xf32, #tpu.memory_space<hbm>>
    tpu.wait_dma2 semaphore(%arg12 : memref<!tpu.dma_semaphore, #tpu.memory_space<semaphore_mem>>) src(%arg6 : memref<32x1024xf32, #tpu.memory_space<vmem>>) dst(%dma_wait3A_41 : memref<32x1024xf32, #tpu.memory_space<hbm>>)
    %add3A_42 = arith.constant 96 : i32
    %add3A_43 = arith.addi %add3A_7, %add3A_42 : i32
    %dma_start3A_44 = arith.constant 0 : i32
    %dma_start3A_45 = tpu.memref_slice %arg2[%add3A_43, %dma_start3A_44] : memref<32768x1024xf32, #tpu.memory_space<hbm>> -> memref<32x1024xf32, #tpu.memory_space<hbm>>
    %dma_start3A_46 = arith.constant 0 : i32
    %dma_start3A_47 = tpu.memref_slice %arg2[%add3A_43, %dma_start3A_46] : memref<32768x1024xf32, #tpu.memory_space<hbm>> -> memref<32x1024xf32, #tpu.memory_space<hbm>>
    tpu.enqueue_dma source(%dma_start3A_47 : memref<32x1024xf32, #tpu.memory_space<hbm>>) target(%arg6 : memref<32x1024xf32, #tpu.memory_space<vmem>>) target_semaphore(%arg9 : memref<!tpu.dma_semaphore, #tpu.memory_space<semaphore_mem>>)
    %add3A_48 = arith.constant 32 : i32
    %add3A_49 = arith.addi %add3A_7, %add3A_48 : i32
    %dma_wait3A_50 = arith.constant 0 : i32
    %dma_wait3A_51 = tpu.memref_slice %arg2[%add3A_49, %dma_wait3A_50] : memref<32768x1024xf32, #tpu.memory_space<hbm>> -> memref<32x1024xf32, #tpu.memory_space<hbm>>
    %dma_wait3A_52 = arith.constant 0 : i32
    %dma_wait3A_53 = tpu.memref_slice %arg2[%add3A_49, %dma_wait3A_52] : memref<32768x1024xf32, #tpu.memory_space<hbm>> -> memref<32x1024xf32, #tpu.memory_space<hbm>>
    tpu.wait_dma2 semaphore(%arg10 : memref<!tpu.dma_semaphore, #tpu.memory_space<semaphore_mem>>) src(%dma_wait3A_53 : memref<32x1024xf32, #tpu.memory_space<hbm>>) dst(%arg7 : memref<32x1024xf32, #tpu.memory_space<vmem>>)
    %add3A_54 = arith.constant 32 : i32
    %add3A_55 = arith.addi %mul3A_2, %add3A_54 : i32
    %dma_start3A_56 = arith.constant 0 : i32
    %dma_start3A_57 = tpu.memref_slice %arg4[%add3A_55, %dma_start3A_56] : memref<4096x1024xf32, #tpu.memory_space<hbm>> -> memref<32x1024xf32, #tpu.memory_space<hbm>>
    %dma_start3A_58 = arith.constant 0 : i32
    %dma_start3A_59 = tpu.memref_slice %arg4[%add3A_55, %dma_start3A_58] : memref<4096x1024xf32, #tpu.memory_space<hbm>> -> memref<32x1024xf32, #tpu.memory_space<hbm>>
    tpu.enqueue_dma source(%arg7 : memref<32x1024xf32, #tpu.memory_space<vmem>>) target(%dma_start3A_59 : memref<32x1024xf32, #tpu.memory_space<hbm>>) target_semaphore(%arg13 : memref<!tpu.dma_semaphore, #tpu.memory_space<semaphore_mem>>)
    %add3A_60 = arith.constant 64 : i32
    %add3A_61 = arith.addi %add3A_7, %add3A_60 : i32
    %dma_wait3A_62 = arith.constant 0 : i32
    %dma_wait3A_63 = tpu.memref_slice %arg2[%add3A_61, %dma_wait3A_62] : memref<32768x1024xf32, #tpu.memory_space<hbm>> -> memref<32x1024xf32, #tpu.memory_space<hbm>>
    %dma_wait3A_64 = arith.constant 0 : i32
    %dma_wait3A_65 = tpu.memref_slice %arg2[%add3A_61, %dma_wait3A_64] : memref<32768x1024xf32, #tpu.memory_space<hbm>> -> memref<32x1024xf32, #tpu.memory_space<hbm>>
    tpu.wait_dma2 semaphore(%arg11 : memref<!tpu.dma_semaphore, #tpu.memory_space<semaphore_mem>>) src(%dma_wait3A_65 : memref<32x1024xf32, #tpu.memory_space<hbm>>) dst(%arg8 : memref<32x1024xf32, #tpu.memory_space<vmem>>)
    %add3A_66 = arith.constant 64 : i32
    %add3A_67 = arith.addi %mul3A_2, %add3A_66 : i32
    %dma_start3A_68 = arith.constant 0 : i32
    %dma_start3A_69 = tpu.memref_slice %arg4[%add3A_67, %dma_start3A_68] : memref<4096x1024xf32, #tpu.memory_space<hbm>> -> memref<32x1024xf32, #tpu.memory_space<hbm>>
    %dma_start3A_70 = arith.constant 0 : i32
    %dma_start3A_71 = tpu.memref_slice %arg4[%add3A_67, %dma_start3A_70] : memref<4096x1024xf32, #tpu.memory_space<hbm>> -> memref<32x1024xf32, #tpu.memory_space<hbm>>
    tpu.enqueue_dma source(%arg8 : memref<32x1024xf32, #tpu.memory_space<vmem>>) target(%dma_start3A_71 : memref<32x1024xf32, #tpu.memory_space<hbm>>) target_semaphore(%arg14 : memref<!tpu.dma_semaphore, #tpu.memory_space<semaphore_mem>>)
    %add3A_72 = arith.constant 96 : i32
    %add3A_73 = arith.addi %add3A_7, %add3A_72 : i32
    %dma_wait3A_74 = arith.constant 0 : i32
    %dma_wait3A_75 = tpu.memref_slice %arg2[%add3A_73, %dma_wait3A_74] : memref<32768x1024xf32, #tpu.memory_space<hbm>> -> memref<32x1024xf32, #tpu.memory_space<hbm>>
    %dma_wait3A_76 = arith.constant 0 : i32
    %dma_wait3A_77 = tpu.memref_slice %arg2[%add3A_73, %dma_wait3A_76] : memref<32768x1024xf32, #tpu.memory_space<hbm>> -> memref<32x1024xf32, #tpu.memory_space<hbm>>
    tpu.wait_dma2 semaphore(%arg9 : memref<!tpu.dma_semaphore, #tpu.memory_space<semaphore_mem>>) src(%dma_wait3A_77 : memref<32x1024xf32, #tpu.memory_space<hbm>>) dst(%arg6 : memref<32x1024xf32, #tpu.memory_space<vmem>>)
    %add3A_78 = arith.constant 96 : i32
    %add3A_79 = arith.addi %mul3A_2, %add3A_78 : i32
    %dma_start3A_80 = arith.constant 0 : i32
    %dma_start3A_81 = tpu.memref_slice %arg4[%add3A_79, %dma_start3A_80] : memref<4096x1024xf32, #tpu.memory_space<hbm>> -> memref<32x1024xf32, #tpu.memory_space<hbm>>
    %dma_start3A_82 = arith.constant 0 : i32
    %dma_start3A_83 = tpu.memref_slice %arg4[%add3A_79, %dma_start3A_82] : memref<4096x1024xf32, #tpu.memory_space<hbm>> -> memref<32x1024xf32, #tpu.memory_space<hbm>>
    tpu.enqueue_dma source(%arg6 : memref<32x1024xf32, #tpu.memory_space<vmem>>) target(%dma_start3A_83 : memref<32x1024xf32, #tpu.memory_space<hbm>>) target_semaphore(%arg12 : memref<!tpu.dma_semaphore, #tpu.memory_space<semaphore_mem>>)
    %add3A_84 = arith.constant 32 : i32
    %add3A_85 = arith.addi %mul3A_2, %add3A_84 : i32
    %dma_wait3A_86 = arith.constant 0 : i32
    %dma_wait3A_87 = tpu.memref_slice %arg4[%add3A_85, %dma_wait3A_86] : memref<4096x1024xf32, #tpu.memory_space<hbm>> -> memref<32x1024xf32, #tpu.memory_space<hbm>>
    %dma_wait3A_88 = arith.constant 0 : i32
    %dma_wait3A_89 = tpu.memref_slice %arg4[%add3A_85, %dma_wait3A_88] : memref<4096x1024xf32, #tpu.memory_space<hbm>> -> memref<32x1024xf32, #tpu.memory_space<hbm>>
    tpu.wait_dma2 semaphore(%arg13 : memref<!tpu.dma_semaphore, #tpu.memory_space<semaphore_mem>>) src(%arg7 : memref<32x1024xf32, #tpu.memory_space<vmem>>) dst(%dma_wait3A_89 : memref<32x1024xf32, #tpu.memory_space<hbm>>)
    %add3A_90 = arith.constant 64 : i32
    %add3A_91 = arith.addi %mul3A_2, %add3A_90 : i32
    %dma_wait3A_92 = arith.constant 0 : i32
    %dma_wait3A_93 = tpu.memref_slice %arg4[%add3A_91, %dma_wait3A_92] : memref<4096x1024xf32, #tpu.memory_space<hbm>> -> memref<32x1024xf32, #tpu.memory_space<hbm>>
    %dma_wait3A_94 = arith.constant 0 : i32
    %dma_wait3A_95 = tpu.memref_slice %arg4[%add3A_91, %dma_wait3A_94] : memref<4096x1024xf32, #tpu.memory_space<hbm>> -> memref<32x1024xf32, #tpu.memory_space<hbm>>
    tpu.wait_dma2 semaphore(%arg14 : memref<!tpu.dma_semaphore, #tpu.memory_space<semaphore_mem>>) src(%arg8 : memref<32x1024xf32, #tpu.memory_space<vmem>>) dst(%dma_wait3A_95 : memref<32x1024xf32, #tpu.memory_space<hbm>>)
    %add3A_96 = arith.constant 96 : i32
    %add3A_97 = arith.addi %mul3A_2, %add3A_96 : i32
    %dma_wait3A_98 = arith.constant 0 : i32
    %dma_wait3A_99 = tpu.memref_slice %arg4[%add3A_97, %dma_wait3A_98] : memref<4096x1024xf32, #tpu.memory_space<hbm>> -> memref<32x1024xf32, #tpu.memory_space<hbm>>
    %dma_wait3A_100 = arith.constant 0 : i32
    %dma_wait3A_101 = tpu.memref_slice %arg4[%add3A_97, %dma_wait3A_100] : memref<4096x1024xf32, #tpu.memory_space<hbm>> -> memref<32x1024xf32, #tpu.memory_space<hbm>>
    tpu.wait_dma2 semaphore(%arg12 : memref<!tpu.dma_semaphore, #tpu.memory_space<semaphore_mem>>) src(%arg6 : memref<32x1024xf32, #tpu.memory_space<vmem>>) dst(%dma_wait3A_101 : memref<32x1024xf32, #tpu.memory_space<hbm>>)
    return
  }
}

</mosaic_0001>

<sc_bundles>
// kernel: kernel.3.cloned.1.call-start
scs
__scs_entry_jumppad:
0x0: {  	(pc) =	sbr.rel $0x88, $3  }
0x1: {  	(tag) =	ssettag $0x0;
	lr =	simm.s32 $0x1  }
0x2: {  	[smem:$0x3F9F] =	sst lr;
	_ =	strace $0xD0000000  }
0x3: {  	_ = 	snop  }
0x4: {  	_ = 	snop  }
0x5: {  	_ = 	snop  }
0x6: {  	_ = 	snop  }
0x7: {  	_ = 	snop  }
__scs_overlays_trampoline_lowered:
0x8: {  	[smem:$0x3FAE] =	sst s0  }
0x9: {  	[smem:$0x3FAF] =	sst s1  }
0xa: {  	[smem:$0x3FB0] =	sst s2  }
0xb: {  	[smem:$0x3FB1] =	sst s3  }
0xc: {  	[smem:$0x3FB2] =	sst s4  }
0xd: {  	[smem:$0x3FB3] =	sst s5  }
0xe: {  	[smem:$0x3FB4] =	sst s6  }
0xf: {  	[smem:$0x3FB5] =	sst s7  }
0x10: {  	[smem:$0x3FB6] =	sst s8  }
0x11: {  	[smem:$0x3FB7] =	sst s9;
	s0 =	simm.s32 @!p0 $0x0  }
0x12: {  	s1 =	sld [smem:$0x3F9D];
	s0 =	simm.s32 @p0 $0x1  }
0x13: {  	[smem:$0x3FB8] =	sst s0;
	s0 =	simm.s32 @!p1 $0x0  }
0x14: {  	s2 =	sld [smem:$0x3F9C];
	s0 =	simm.s32 @p1 $0x1  }
0x15: {  	[smem:$0x3FB9] =	sst s0;
	s0 =	simm.s32 @!p2 $0x0  }
0x16: {  	s3 =	sld [smem:$0x3FDB];
	s0 =	simm.s32 @p2 $0x1  }
0x17: {  	s4 =	simm.s32 $0x1BF5;
	[smem:$0x3FBB] =	sst s0  }
0x18: {  	s0 =	sld [smem:$0x3F9E];
	_ =	swait.ge [sflag:s4], $0x0  }
0x19: {  	s7 =	sld [smem:$0x3F9F]  }
0x1a: {  	s8 =	sadd.s32 $0xFFFFE003, lr  }
0x1b: {  	s9 =	sadd.s32 $0xFFFFFEF7, lr;
	s5 =	simm.s32 $0xFFFFFFFF;
	p2 =	slt.u32 s8, $0xFFFFF086  }
0x1c: {  	p1 =	slt.u32 s9, $0xF7A;
	s5 =	simm.s32 @!p2 $0x0  }
0x1d: {  	s5 =	simm.s32 @p1 $0x1;
	p0 =	seq.s32 s7, s2  }
0x1e: {  	s7 =	smul.u32 @!p0 $0xF7A, s2;
	p2 =	seq.s32 @!p0 s5, $0x0  }
0x1f: {  	s9 =	smul.u32 $0xF7A, s1;
	s8 =	simm.s32 @!p0 $0x1BF5;
	p2 =	por !p2, p0  }
0x20: {  	[sflag:s8] =	ssyncset.s32 @!p0 $0xFFFFF086;
	s6 =	sadd.s32 @!p0 s3, s7;
	s7 =	simm.s32 @!p0 $0x108  }
0x21: {  	s3 =	sadd.s32 s3, s9;
	s6 =	sadd.s32 @!p0 $0x88, s6;
	s7 =	simm.s32 @p2 $0x1082  }
0x22: {  	[simem:s7], [sflag:s8] =	dma.local @!p0 [hbm:s6], $0xF7A  }
0x23: {  	s9 =	sor.u32 $0xD0000000, s2;
	s6 =	simm.s32 $0x108;
	_ =	swait.ge @!p0 [sflag:s8], $0x0  }
0x24: {  	s3 =	sadd.s32 $0x88, s3;
	s6 =	simm.s32 @!p1 $0x1082;
	[sflag:s4] =	ssyncset.s32 $0xFFFFF086  }
0x25: {  	[simem:s6], [sflag:s4] =	dma.local [hbm:s3], $0xF7A  }
0x26: {  	[smem:$0x3F9F] =	sst s1;
	(tag) =	ssettag s2;
	_ =	strace s9  }
0x27: {  	s1 =	sld [smem:$0x3FAF]  }
0x28: {  	s2 =	sld [smem:$0x3FB0]  }
0x29: {  	s4 =	sld [smem:$0x3FB2]  }
0x2a: {  	p0 =	seq.s32 s5, $0x0;
	s5 =	sld [smem:$0x3FB3]  }
0x2b: {  	s6 =	sld [smem:$0x3FB4]  }
0x2c: {  	s7 =	sld [smem:$0x3FB5]  }
0x2d: {  	s3 =	simm.s32 $0x108;
	s8 =	sld [smem:$0x3FB6]  }
0x2e: {  	s3 =	simm.s32 @!p0 $0x1082;
	s9 =	sld [smem:$0x3FB7]  }
0x2f: {  	lr =	sadd.s32 s0, s3;
	s0 =	sld [smem:$0x3FAE]  }
0x30: {  	s3 =	sld [smem:$0x3FB1]  }
0x31: {  	[smem:$0x3FBA] =	sst s10  }
0x32: {  	s10 =	sld [smem:$0x3FB8];
	_ =	sdelay $0x3  }
0x33: {  	p0 =	seq.s32 s10, $0x1;
	s10 =	sld [smem:$0x3FBA];
	_ =	sdelay $0x3  }
0x34: {  	[smem:$0x3FBA] =	sst s10  }
0x35: {  	s10 =	sld [smem:$0x3FB9];
	_ =	sdelay $0x3  }
0x36: {  	p1 =	seq.s32 s10, $0x1;
	s10 =	sld [smem:$0x3FBA];
	_ =	sdelay $0x3  }
0x37: {  	[smem:$0x3FBA] =	sst s10  }
0x38: {  	s10 =	sld [smem:$0x3FBB]  }
0x39: {  	_ = 	snop;
	(pc) =	sbr.ind lr, $3  }
0x3a: {  	_ = 	snop  }
0x3b: {  	_ = 	snop  }
0x3c: {  	p2 =	seq.s32 s10, $0x1;
	s10 =	sld [smem:$0x3FBA]  }
0x3d: {  	_ =	shalt  }
0x3e: {  	_ =	shalt  }
0x3f: {  	_ =	shalt  }
0x40: {  	_ =	shalt  }
0x41: {  	_ =	shalt  }
0x42: {  	_ =	shalt  }
0x43: {  	_ =	shalt  }
0x44: {  	_ =	shalt  }
0x45: {  	_ =	shalt  }
0x46: {  	_ =	shalt  }
0x47: {  	_ =	shalt  }
0x48: {  	_ =	shalt  }
0x49: {  	_ =	shalt  }
0x4a: {  	_ =	shalt  }
0x4b: {  	_ =	shalt  }
0x4c: {  	_ =	shalt  }
0x4d: {  	_ =	shalt  }
0x4e: {  	_ =	shalt  }
0x4f: {  	_ =	shalt  }
0x50: {  	_ =	shalt  }
0x51: {  	_ =	shalt  }
0x52: {  	_ =	shalt  }
0x53: {  	_ =	shalt  }
0x54: {  	_ =	shalt  }
0x55: {  	_ =	shalt  }
0x56: {  	_ =	shalt  }
0x57: {  	_ =	shalt  }
0x58: {  	_ =	shalt  }
0x59: {  	_ =	shalt  }
0x5a: {  	_ =	shalt  }
0x5b: {  	_ =	shalt  }
0x5c: {  	_ =	shalt  }
0x5d: {  	_ =	shalt  }
0x5e: {  	_ =	shalt  }
0x5f: {  	_ =	shalt  }
0x60: {  	_ =	shalt  }
0x61: {  	_ =	shalt  }
0x62: {  	_ =	shalt  }
0x63: {  	_ =	shalt  }
0x64: {  	_ =	shalt  }
0x65: {  	_ =	shalt  }
0x66: {  	_ =	shalt  }
0x67: {  	_ =	shalt  }
0x68: {  	_ =	shalt  }
0x69: {  	_ =	shalt  }
0x6a: {  	_ =	shalt  }
0x6b: {  	_ =	shalt  }
0x6c: {  	_ =	shalt  }
0x6d: {  	_ =	shalt  }
0x6e: {  	_ =	shalt  }
0x6f: {  	_ =	shalt  }
0x70: {  	_ =	shalt  }
0x71: {  	_ =	shalt  }
0x72: {  	_ =	shalt  }
0x73: {  	_ =	shalt  }
0x74: {  	_ =	shalt  }
0x75: {  	_ =	shalt  }
0x76: {  	_ =	shalt  }
0x77: {  	_ =	shalt  }
0x78: {  	_ =	shalt  }
0x79: {  	_ =	shalt  }
0x7a: {  	_ =	shalt  }
0x7b: {  	_ =	shalt  }
0x7c: {  	_ =	shalt  }
0x7d: {  	_ =	shalt  }
0x7e: {  	_ =	shalt  }
0x7f: {  	_ =	shalt  }
0x80: {  	_ =	shalt  }
0x81: {  	_ =	shalt  }
0x82: {  	_ =	shalt  }
0x83: {  	_ =	shalt  }
0x84: {  	_ =	shalt  }
0x85: {  	_ =	shalt  }
0x86: {  	_ =	shalt  }
0x87: {  	_ =	shalt  }
.Lfunc_end0:
.L_simem_size_0:
called_computation_lowered:
.L_overlay_start_0:
0x88: {  	s2 =	sld [smem:$0x3FD9]  }
0x89: {  	s3 =	sld [smem:$0x3FFE];
	_ =	sdelay $0x1  }
0x8a: {  	s1 =	srdreg.scid  }
0x8b: {  	s0 =	sand.u32 $0x1, s1  }
0x8c: {  	s17 =	sshll.u32 s0, $0xA;
	s2 =	sadd.s32 s3, s2  }
0x8d: {  	s2 =	sadd.s32 s2, s17  }
0x8e: {  	[smem:$0x3FC6] =	sst s2  }
0x8f: {  	_ = 	snop  }
0x90: {  	s2 =	sld [smem:$0x3FC9]  }
0x91: {  	s18 =	sld [smem:$0x3FD0];
	(tm) =	ssettm $0x1  }
0x92: {  	s4 =	sld [smem:$0x3FFB];
	_ =	sdelay $0x3  }
0x93: {  	_ =	strace s4  }
0x94: {  	s4 =	sld [smem:$0x3FFC];
	_ =	sdelay $0x3  }
0x95: {  	_ =	strace s4  }
0x96: {  	s4 =	sld [smem:$0x3FFD];
	_ =	sdelay $0x3  }
0x97: {  	_ =	strace s4  }
0x98: {  	_ =	strace $0x8FFFFFFF  }
0x99: {  	s19 =	sld [smem:$0x3FDB];
	_ =	sdelay $0x1  }
0x9a: {  	s5 =	simm.s32 $_scs_section_size  }
0x9b: {  	s6 =	simm.s32 $_size__tile_overlayer_lowered;
	s7 =	simm.s32 $_tile_overlayer_lowered  }
0x9c: {  	s22 =	simm.s32 $0x1BFF;
	s21 =	sshll.u32 s7, $0x1;
	s4 =	sadd.s32 s5, s19  }
0x9d: {  	s8 =	simm.s32 $0x0;
	s20 =	sshll.u32 s6, $0x1;
	s6 =	sadd.s32 s21, s4  }
0x9e: {  	[timem:s8], [sflag:s22] =	dma.local [hbm:s6], s20  }
0x9f: {  	_ =	swait.ge [sflag:s22], s20  }
0xa0: {  	s5 =	ssub.s32 $0x0, s20;
	[sflag:s22] =	ssyncset.done $0x0  }
0xa1: {  	[sflag:s22] =	ssyncadd.s32 s5;
	_ =	sdelay $0x1  }
0xa2: {  	s23 =	simm.s32 $0x1B8B  }
0xa3: {  	_ =	swait.ge [sflag:s23], $0x1  }
0xa4: {  	[sflag:s23] =	ssyncset.done $0x0  }
0xa5: {  	s25 =	simm.s32 $0x1B8E;
	s24 =	sld [smem:$0x3FFE];
	[sflag:s23] =	ssyncadd.s32 $0xFFFFFFFF  }
0xa6: {  	s26 =	simm.s32 $execute0_lowered;
	[smem:$0x3FD2] =	sst s25  }
0xa7: {  	s6 =	sshll.u32 s26, $0x1;
	_ =	strace $0x80000046;
	[dreg:$0x1] =	wrdreg $0xFFFFFFFF  }
0xa8: {  	s28 =	simm.s32 $_size_execute0_lowered;
	s4 =	sadd.s32 s4, s6;
	[dreg:$0x0] =	wrdreg $0x0  }
0xa9: {  	s6 =	sshll.u32 s28, $0x1;
	[dreg:$0x2] =	wrdreg s4  }
0xaa: {  	[dreg:$0x3] =	wrdreg s6  }
0xab: {  	[dreg:$0x4] =	wrdreg $0xC0  }
0xac: {  	_ =	task [dreg:s8], $0x5FFFF  }
0xad: {  	[dreg:$0x1] =	wrdreg $0xFFFFFFFF  }
0xae: {  	[dreg:$0x0] =	wrdreg $0x60  }
0xaf: {  	[dreg:$0x2] =	wrdreg s2  }
0xb0: {  	[dreg:$0x3] =	wrdreg s24  }
0xb1: {  	[dreg:$0x4] =	wrdreg s18  }
0xb2: {  	[dreg:$0x5] =	wrdreg $0x9  }
0xb3: {  	_ =	task.clear_ibuf [dreg:s8], $0x6FFFF;
	_ =	strace $0x90000046  }
0xb4: {  	s29 =	simm.s32 $0x9;
	_ =	strace $0x80000048  }
0xb5: {  	_ =	swait.ge [sflag:s29], $0x1  }
0xb6: {  	[sflag:s29] =	ssyncadd.s32 $0xFFFFFFFF  }
0xb7: {  	_ =	strace $0x90000048  }
0xb8: {  	_ =	sfence  }
0xb9: {  	s30 =	sld [smem:$0x0];
	_ =	sdelay $0x2  }
0xba: {  	s31 =	sshll.u32 s1, $0xD;
	s1 =	sshrl.u32 s1, $0x2  }
0xbb: {  	s3 =	sand.u32 $0x4000, s31;
	s1 =	sadd.s32 s1, s30  }
0xbc: {  	s0 =	sor.u32 s3, s0;
	s1 =	sshll.u32 s1, $0x11  }
0xbd: {  	s0 =	sor.u32 s1, s0  }
0xbe: {  	s0 =	sadd.s32 $0x8F2B, s0  }
0xbf: {  	[sflag:s0] =	ssyncadd.remote.s32 $0x1  }
0xc0: {  	_ =	sfence.sel $0xFFFF  }
0xc1: {  	[dreg:$0x0] =	wrdreg $0xFFFFFFFF;
	(pc) =	sbr.abs _section_cstart, $3  }
0xc2: {  	[dreg:$0x1] =	wrdreg $0xFFFFFFFF  }
0xc3: {  	_ =	task.clear_ibuf [dreg:s8], $0x2FFFF;
	_ =	strace $0x9FFFFFFF  }
0xc4: {  	(tm) =	ssettm $0x7FFFFFFF  }
0xc5: {  	_ =	shalt  }
tec
execute0_lowered:
.L_overlay_start_1:
0x0: {  	(tag) =	ssettag $0x1  }
0x1: {  	s1 =	rddreg [dreg:$0x0]  }
0x2: {  	s3 =	rddreg [dreg:$0x1]  }
0x3: {  	s13 =	rddreg [dreg:$0x2]  }
0x4: {  	s0 =	rddreg [dreg:$0x3];
	s2 =	simm.s32 $0x0  }
0x5: {  	[smem:$0x7FF] =	sst s2  }
0x6: {  	s4 =	simm.s32 $0x7;
	s3 =	sadd.s32 $0x400, s3;
	_ =	strace $0x80000047  }
0x7: {  	[tilespmem:s2], [sflag:$0x7] =	stream.linear.gather [hbm4b:s3+s2], $0x80, $0x38;
	[tilespmem:$0x18080] =	vst v63  }
0x8: {  	_ =	swait.ge [sflag:s4], $0x80  }
0x9: {  	[sflag:s4] =	ssyncset.done $0x0  }
0xa: {  	[sflag:s4] =	ssyncadd.s32 $0xFFFFFF80  }
0xb: {  	v0 =	vld [tilespmem:$0x0];
	_ =	sdelay $0x4  }
0xc: {  	(v2sf) =	vpush v0, $0x0;
	_ =	sdelay $0xc  }
0xd: {  	s6 =	srdreg.scid  }
0xe: {  	s5 =	stileid.u32;
	s22 =	sand.u32 $0x1, s6  }
0xf: {  	s31 =	sshll.u32 s5, $0xF;
	s7 =	sshll.u32 s22, $0xE;
	s8 =	spop (v2sf)  }
0x10: {  	s6 =	sor.u32 s7, s31;
	s8 =	sshll.u32 s8, $0x13  }
0x11: {  	s7 =	sadd.s32 $0x1000, s1;
	s9 =	sor.u32 s6, s8  }
0x12: {  	s8 =	simm.s32 $0x80;
	s10 =	sadd.s32 s1, s9;
	s17 =	sand.u32 $0x1FFFC000, s9  }
0x13: {  	[tilespmem:s8], [sflag:$0x1] =	stream.linear.gather [hbm4b:s10+s2], $0x8000, $0x38;
	[tilespmem:$0x18080] =	vst v63  }
0x14: {  	s9 =	sadd.s32 $0x2000, s1;
	s10 =	simm.s32 $0x8080;
	s11 =	sadd.s32 s17, s7  }
0x15: {  	[tilespmem:s10], [sflag:$0x2] =	stream.linear.gather [hbm4b:s11+s2], $0x8000, $0x38;
	[tilespmem:$0x18080] =	vst v63  }
0x16: {  	s12 =	simm.s32 $0x1;
	s14 =	sadd.s32 s17, s9;
	s11 =	simm.s32 $0x10080  }
0x17: {  	[tilespmem:s11], [sflag:$0x3] =	stream.linear.gather [hbm4b:s14+s2], $0x8000, $0x38;
	[tilespmem:$0x18080] =	vst v63  }
0x18: {  	_ =	swait.ge [sflag:s12], $0x8000  }
0x19: {  	[sflag:s12] =	ssyncset.done $0x0  }
0x1a: {  	s14 =	sadd.s32 s13, s6;
	s13 =	simm.s32 $0x4;
	[sflag:s12] =	ssyncadd.s32 $0xFFFF8000  }
0x1b: {  	[hbm4b:s14+s2] =	stream.linear.scatter [tilespmem:s8], [sflag:$0x4], $0x8000, $0x38;
	[tilespmem:$0x18080] =	vst v63  }
0x1c: {  	_ =	swait.ge [sflag:s13], $0x8000  }
0x1d: {  	s15 =	sadd.s32 $0x3000, s1;
	[sflag:s13] =	ssyncset.done $0x0  }
0x1e: {  	s16 =	simm.s32 $0x2;
	s17 =	sadd.s32 s17, s15;
	[sflag:s13] =	ssyncadd.s32 $0xFFFF8000  }
0x1f: {  	[tilespmem:s8], [sflag:$0x1] =	stream.linear.gather [hbm4b:s17+s2], $0x8000, $0x38;
	[tilespmem:$0x18080] =	vst v63  }
0x20: {  	_ =	swait.ge [sflag:s16], $0x8000  }
0x21: {  	[sflag:s16] =	ssyncset.done $0x0  }
0x22: {  	s18 =	simm.s32 $0x3;
	s17 =	sadd.s32 $0x1000, s14;
	[sflag:s16] =	ssyncadd.s32 $0xFFFF8000  }
0x23: {  	[hbm4b:s17+s2] =	stream.linear.scatter [tilespmem:s10], [sflag:$0x5], $0x8000, $0x38;
	[tilespmem:$0x18080] =	vst v63  }
0x24: {  	_ =	swait.ge [sflag:s18], $0x8000  }
0x25: {  	[sflag:s18] =	ssyncset.done $0x0  }
0x26: {  	s19 =	sadd.s32 $0x2000, s14;
	[sflag:s18] =	ssyncadd.s32 $0xFFFF8000  }
0x27: {  	[hbm4b:s19+s2] =	stream.linear.scatter [tilespmem:s11], [sflag:$0x6], $0x8000, $0x38;
	[tilespmem:$0x18080] =	vst v63  }
0x28: {  	_ =	swait.ge [sflag:s12], $0x8000  }
0x29: {  	s21 =	simm.s32 $0x5;
	s23 =	ssub.s32 $0x2, s22;
	[sflag:s12] =	ssyncset.done $0x0  }
0x2a: {  	s24 =	sshrl.u32 s23, $0x1;
	s20 =	sadd.s32 $0x3000, s14;
	[sflag:s12] =	ssyncadd.s32 $0xFFFF8000  }
0x2b: {  	[hbm4b:s20+s2] =	stream.linear.scatter [tilespmem:s8], [sflag:$0x4], $0x8000, $0x38;
	[tilespmem:$0x18080] =	vst v63  }
0x2c: {  	s23 =	ssub.s32 s23, s24;
	_ =	swait.ge [sflag:s21], $0x8000  }
0x2d: {  	s23 =	smax.u32 s23, $0x1;
	[sflag:s21] =	ssyncset.done $0x0  }
0x2e: {  	s22 =	simm.s32 $0x6;
	p0 =	sne.s32 s23, $0x1;
	[sflag:s21] =	ssyncadd.s32 $0xFFFF8000  }
.Ltmp0:
0x2f: {  	_ =	swait.ge [sflag:s22], $0x8000;
	(pc) =	sbr.rel @!p0 .LBB2_2-.Ltmp0, $4  }
0x30: {  	[sflag:s22] =	ssyncset.done $0x0  }
0x31: {  	[sflag:s22] =	ssyncadd.s32 $0xFFFF8000  }
0x32: {  	_ =	swait.ge [sflag:s13], $0x8000  }
0x33: {  	s23 =	sadd.s32 $0xFFFFFFFF, s23;
	[sflag:s13] =	ssyncset.done $0x0  }
.LBB2_1:
0x34: {  	p0 =	sne.s32 s23, $0x1;
	s23 =	sadd.s32 $0xFFFFFFFF, s23;
	[sflag:s13] =	ssyncadd.s32 $0xFFFF8000  }
0x35: {  	[tilespmem:s2], [sflag:$0x7] =	stream.linear.gather [hbm4b:s3+s2], $0x80, $0x38;
	[tilespmem:$0x18080] =	vst v63  }
0x36: {  	_ =	swait.ge [sflag:s4], $0x80  }
0x37: {  	[sflag:s4] =	ssyncset.done $0x0  }
0x38: {  	[sflag:s4] =	ssyncadd.s32 $0xFFFFFF80  }
0x39: {  	v0 =	vld [tilespmem:$0x0];
	_ =	sdelay $0x4  }
0x3a: {  	(v2sf) =	vpush v0, $0x0;
	_ =	sdelay $0xe  }
0x3b: {  	s24 =	spop (v2sf)  }
0x3c: {  	s24 =	sshll.u32 s24, $0x13  }
0x3d: {  	s24 =	sor.u32 s6, s24  }
0x3e: {  	s25 =	sadd.s32 s1, s24;
	s24 =	sand.u32 $0x1FFFC000, s24  }
0x3f: {  	[tilespmem:s8], [sflag:$0x1] =	stream.linear.gather [hbm4b:s25+s2], $0x8000, $0x38;
	[tilespmem:$0x18080] =	vst v63  }
0x40: {  	s25 =	sadd.s32 s24, s7  }
0x41: {  	[tilespmem:s10], [sflag:$0x2] =	stream.linear.gather [hbm4b:s25+s2], $0x8000, $0x38;
	[tilespmem:$0x18080] =	vst v63  }
0x42: {  	s25 =	sadd.s32 s24, s9  }
0x43: {  	[tilespmem:s11], [sflag:$0x3] =	stream.linear.gather [hbm4b:s25+s2], $0x8000, $0x38;
	[tilespmem:$0x18080] =	vst v63  }
0x44: {  	_ =	swait.ge [sflag:s12], $0x8000  }
0x45: {  	[sflag:s12] =	ssyncset.done $0x0  }
0x46: {  	[sflag:s12] =	ssyncadd.s32 $0xFFFF8000  }
0x47: {  	[hbm4b:s14+s2] =	stream.linear.scatter [tilespmem:s8], [sflag:$0x4], $0x8000, $0x38;
	[tilespmem:$0x18080] =	vst v63  }
0x48: {  	_ =	swait.ge [sflag:s13], $0x8000  }
0x49: {  	[sflag:s13] =	ssyncset.done $0x0  }
0x4a: {  	s24 =	sadd.s32 s24, s15;
	[sflag:s13] =	ssyncadd.s32 $0xFFFF8000  }
0x4b: {  	[tilespmem:s8], [sflag:$0x1] =	stream.linear.gather [hbm4b:s24+s2], $0x8000, $0x38;
	[tilespmem:$0x18080] =	vst v63  }
0x4c: {  	_ =	swait.ge [sflag:s16], $0x8000  }
0x4d: {  	[sflag:s16] =	ssyncset.done $0x0  }
0x4e: {  	[sflag:s16] =	ssyncadd.s32 $0xFFFF8000  }
0x4f: {  	[hbm4b:s17+s2] =	stream.linear.scatter [tilespmem:s10], [sflag:$0x5], $0x8000, $0x38;
	[tilespmem:$0x18080] =	vst v63  }
0x50: {  	_ =	swait.ge [sflag:s18], $0x8000  }
0x51: {  	[sflag:s18] =	ssyncset.done $0x0  }
0x52: {  	[sflag:s18] =	ssyncadd.s32 $0xFFFF8000  }
0x53: {  	[hbm4b:s19+s2] =	stream.linear.scatter [tilespmem:s11], [sflag:$0x6], $0x8000, $0x38;
	[tilespmem:$0x18080] =	vst v63  }
0x54: {  	_ =	swait.ge [sflag:s12], $0x8000  }
0x55: {  	[sflag:s12] =	ssyncset.done $0x0  }
0x56: {  	[sflag:s12] =	ssyncadd.s32 $0xFFFF8000  }
0x57: {  	[hbm4b:s20+s2] =	stream.linear.scatter [tilespmem:s8], [sflag:$0x4], $0x8000, $0x38;
	[tilespmem:$0x18080] =	vst v63  }
0x58: {  	_ =	swait.ge [sflag:s21], $0x8000  }
0x59: {  	[sflag:s21] =	ssyncset.done $0x0  }
0x5a: {  	[sflag:s21] =	ssyncadd.s32 $0xFFFF8000  }
.Ltmp1:
0x5b: {  	_ =	swait.ge [sflag:s22], $0x8000;
	(pc) =	sbr.rel @p0 .LBB2_1-.Ltmp1, $4  }
0x5c: {  	[sflag:s22] =	ssyncset.done $0x0  }
0x5d: {  	[sflag:s22] =	ssyncadd.s32 $0xFFFF8000  }
0x5e: {  	_ =	swait.ge [sflag:s13], $0x8000  }
0x5f: {  	[sflag:s13] =	ssyncset.done $0x0  }
.LBB2_2:
0x60: {  	[sflag:s13] =	ssyncadd.s32 $0xFFFF8000  }
0x61: {  	_ =	sfence.sel $0x180000  }
0x62: {  	[bflag:$0x0] =	sbarrier.arrive $0xFFFF  }
0x63: {  	p0 =	sne.s32 s5, $0x0;
	_ =	strace $0x90000047  }
0x64: {  	s0 =	sadd.s32 @!p0 $0x100000, s0;
	[bflag:$0x2] =	sbarrier.arrive $0xFFFF  }
0x65: {  	[sflag:s0] =	ssyncadd.tile.s32 @!p0 $0x1;
	_ =	shalt  }
.Lfunc_end2:
_tile_overlayer_lowered:
.L_overlay_start_2:
0x66: {  	(tag) =	ssettag $0x2  }
0x67: {  	s0 =	rddreg [dreg:$0x0];
	s2 =	stileid.u32  }
0x68: {  	s1 =	rddreg [dreg:$0x1];
	p0 =	sne.s32 s2, $0x0  }
0x69: {  	s3 =	rddreg [dreg:$0x2];
	[bflag:$0x3] =	sbarrier.arrive $0xFFFF;
	s2 =	simm.s32 @!p0 $0x1C07  }
0x6a: {  	[timem:s3], [sflag:s2] =	dma.local @!p0 [hbm:s0], s1  }
0x6b: {  	s0 =	simm.s32 @!p0 $0x7  }
0x6c: {  	_ =	swait.ge @!p0 [sflag:s0], s1  }
0x6d: {  	s1 =	ssub.s32 @!p0 $0x0, s1;
	[sflag:s0] =	ssyncset.done @!p0 $0x0  }
0x6e: {  	[sflag:s0] =	ssyncadd.s32 @!p0 s1  }
0x6f: {  	[bflag:$0x3] =	sbarrier.arrive $0xFFFF  }
0x70: {  	_ =	shalt  }

</sc_bundles>
